<compile_context>
chip_gen: v7x
topology: tpu7x:2x2x1
jax: 0.10.2.dev20260603
libtpu: 0.0.44.dev20260713+nightly
codegen_flags: <defaults>
</compile_context>

<pallas_src>
import jax
import jax.numpy as jnp
from jax import lax
from jax.experimental import pallas as pl
from jax.experimental.pallas import tpu as pltpu
from jax.experimental.pallas import tpu_sc as plsc

_T, _E, _D_MODEL, _D_FF = 128, 16, 768, 1536


def _moe_kernel(ids_ref, x_ref, w1_ref, w3_ref, w2_ref, out_ref):
    e = pl.program_id(0)

    mask = ids_ref[...] == e
    xm = jnp.where(mask, x_ref[...], 0.0)

    g = jax.lax.dot_general(xm, w1_ref[0], (((1,), (1,)), ((), ())),
                            preferred_element_type=jnp.float32)
    u = jax.lax.dot_general(xm, w3_ref[0], (((1,), (1,)), ((), ())),
                            preferred_element_type=jnp.float32)
    h = (g * jax.nn.sigmoid(g)) * u
    o = jax.lax.dot_general(h, w2_ref[0], (((1,), (1,)), ((), ())),
                            preferred_element_type=jnp.float32)

    @pl.when(e == 0)
    def _init():
        out_ref[...] = jnp.zeros_like(out_ref)

    out_ref[...] += o


def _tc_moe(ids, x, w1, w3, w2):
    return pl.pallas_call(
        _moe_kernel,
        grid=(_E,),
        in_specs=[
            pl.BlockSpec((_T, 1), lambda e: (0, 0)),
            pl.BlockSpec((_T, _D_MODEL), lambda e: (0, 0)),
            pl.BlockSpec((1, _D_FF, _D_MODEL), lambda e: (e, 0, 0)),
            pl.BlockSpec((1, _D_FF, _D_MODEL), lambda e: (e, 0, 0)),
            pl.BlockSpec((1, _D_MODEL, _D_FF), lambda e: (e, 0, 0)),
        ],
        out_specs=pl.BlockSpec((_T, _D_MODEL), lambda e: (0, 0)),
        out_shape=jax.ShapeDtypeStruct((_T, _D_MODEL), jnp.float32),
        compiler_params=pltpu.CompilerParams(
            dimension_semantics=("arbitrary",),
        ),
    )(ids, x, w1, w3, w2)


def _sc_scale(ids_i32):
    mesh = plsc.VectorSubcoreMesh(core_axis_name="c", subcore_axis_name="s")

    def sc_scale_kernel(ids_hbm, out_hbm, ids_v, out_v):
        wid = lax.axis_index("s") * 2 + lax.axis_index("c")

        @pl.when(wid == 0)
        def _():
            pltpu.sync_copy(ids_hbm, ids_v)
            for i in range(_T // 16):
                v = ids_v[pl.ds(i * 16, 16)]
                out_v[pl.ds(i * 16, 16)] = jnp.where(v < _E, 1.0, 0.5)
            pltpu.sync_copy(out_v, out_hbm)

    f = pl.kernel(
        sc_scale_kernel,
        out_type=jax.ShapeDtypeStruct((_T,), jnp.float32),
        mesh=mesh,
        scratch_types=[
            pltpu.VMEM((_T,), jnp.int32),
            pltpu.VMEM((_T,), jnp.float32),
        ],
    )
    return f(ids_i32)


def kernel(x, token_expert_ids, w1, w3, w2):
    ids_flat = token_expert_ids.astype(jnp.int32)
    ids = ids_flat.reshape(_T, 1)
    tc_out = _tc_moe(ids, x, w1, w3, w2)
    scale = _sc_scale(ids_flat)
    return tc_out * scale.reshape(_T, 1)

# --- scband reference (transcript-rebuilt; emitter-appended) ---
"""Pipeline reference for scband-grouped-expert-mlpfast-69234872811782 (READ-ONLY COPY).

The authoritative reference and input builder live on the scoring server;
editing this copy changes nothing except your own understanding.
"""

import jax, jax.numpy as jnp
import numpy as np

T, E, D_MODEL, D_FF = 128, 16, 768, 1536


def setup_inputs(seed: int = 0) -> dict:
    key = jax.random.key(seed)
    k1, k2, k3, k4, k5 = jax.random.split(key, 5)
    x = jax.random.normal(k1, (T, D_MODEL), dtype=jnp.float32)
    token_expert_ids = jax.random.randint(k2, (T,), 0, E)
    # kaiming_uniform_(a=sqrt(5)) on a [fan_out, fan_in] matrix -> U(-1/sqrt(fan_in), 1/sqrt(fan_in))
    b1 = 1.0 / np.sqrt(D_MODEL)
    b2 = 1.0 / np.sqrt(D_FF)
    w1 = jax.random.uniform(k3, (E, D_FF, D_MODEL), minval=-b1, maxval=b1, dtype=jnp.float32)
    w3 = jax.random.uniform(k4, (E, D_FF, D_MODEL), minval=-b1, maxval=b1, dtype=jnp.float32)
    w2 = jax.random.uniform(k5, (E, D_MODEL, D_FF), minval=-b2, maxval=b2, dtype=jnp.float32)
    return {"x": x, "token_expert_ids": token_expert_ids, "w1": w1, "w3": w3, "w2": w2}


def reference(x, token_expert_ids, w1, w3, w2):
    # Gather per-token expert weights (memory-bound gather of large weight slabs)
    w1_sel = jnp.take(w1, token_expert_ids, axis=0)  # [T, d_ff, d_model]
    w3_sel = jnp.take(w3, token_expert_ids, axis=0)  # [T, d_ff, d_model]
    w2_sel = jnp.take(w2, token_expert_ids, axis=0)  # [T, d_model, d_ff]
    # bmm(x[:, None, :], w_sel.transpose(-1, -2)).squeeze(1) == einsum('td,tfd->tf', ...)
    gate_out = jnp.einsum('td,tfd->tf', x, w1_sel)
    up_out = jnp.einsum('td,tfd->tf', x, w3_sel)
    hidden = jax.nn.silu(gate_out) * up_out
    output = jnp.einsum('tf,tdf->td', hidden, w2_sel)
    return output

if __name__ == "__main__":
    import jax
    _d = setup_inputs()
    print(jax.jit(kernel)(*tuple(_d.values())))

</pallas_src>

<mosaic_0001>
#map = affine_map<(d0, d1) -> (0)>
module attributes {stable_mosaic.version = 14 : i64} {
  func.func @sc_scale_kernel(%arg0: i32, %arg1: i32, %arg2: memref<128xi32, #tpu.memory_space<hbm>>, %arg3: memref<128xf32, #tpu.memory_space<hbm>>, %arg4: memref<128xi32, #tpu.memory_space<vmem>>, %arg5: memref<128xf32, #tpu.memory_space<vmem>>) attributes {dimension_semantics = [#tpu.dimension_semantics<core_parallel>, #tpu.dimension_semantics<subcore_parallel>], iteration_bounds = array<i64: 2, 16>, scalar_prefetch = 0 : i64, scratch_operands = 2 : i64, tpu.core_type = #tpu.core_type<sc_vector_subcore>, window_params = [{transform_indices = #map}, {transform_indices = #map}]} {
    %mul3A = arith.constant 2 : i32
    %mul3A_0 = arith.muli %arg1, %mul3A : i32
    %add3A = arith.addi %mul3A_0, %arg0 : i32
    %eq3A = arith.constant 0 : i32
    %eq3A_1 = arith.cmpi eq, %add3A, %eq3A : i32
    %convert_element_type3A = arith.extui %eq3A_1 : i1 to i32
    %cond3A = arith.constant 0 : i32
    %cond3A_2 = arith.cmpi ne, %convert_element_type3A, %cond3A : i32
    scf.if %cond3A_2 {
      "tpu.region"() ({
        %run_scoped3A = tpu.sem_alloc : memref<!tpu.dma_semaphore, #tpu.memory_space<semaphore_mem>>
        tpu.enqueue_dma source(%arg2 : memref<128xi32, #tpu.memory_space<hbm>>) target(%arg4 : memref<128xi32, #tpu.memory_space<vmem>>) target_semaphore(%run_scoped3A : memref<!tpu.dma_semaphore, #tpu.memory_space<semaphore_mem>>)
        tpu.wait_dma2 semaphore(%run_scoped3A : memref<!tpu.dma_semaphore, #tpu.memory_space<semaphore_mem>>) src(%arg2 : memref<128xi32, #tpu.memory_space<hbm>>) dst(%arg4 : memref<128xi32, #tpu.memory_space<vmem>>)
        tpu.yield
      }) : () -> ()
      %get3A = arith.constant 0 : index
      %get3A_3 = tpu.vector_load %arg4[%get3A] {strides = array<i32>} : memref<128xi32, #tpu.memory_space<vmem>>, vector<16xi32>,
      %get3A_4 = vector.shape_cast %get3A_3 : vector<16xi32> to vector<16xi32>
      %lt3A = arith.constant 16 : i32
      %lt3A_5 = vector.broadcast %lt3A : i32 to vector<16xi32>
      %lt3A_6 = arith.cmpi slt, %get3A_4, %lt3A_5 : vector<16xi32>
      %jit3A = arith.constant 1.000000e+00 : f32
      %jit3A_7 = arith.constant 5.000000e-01 : f32
      %broadcast_in_dim3A = vector.broadcast %jit3A : f32 to vector<16xf32>
      %broadcast_in_dim3A_8 = vector.broadcast %jit3A_7 : f32 to vector<16xf32>
      %select_n3A = arith.select %lt3A_6, %broadcast_in_dim3A, %broadcast_in_dim3A_8 : vector<16xi1>, vector<16xf32>
      %swap3A = arith.constant 0 : index
      %swap3A_9 = tpu.vector_load %arg5[%swap3A] {strides = array<i32>} : memref<128xf32, #tpu.memory_space<vmem>>, vector<16xf32>,
      %swap3A_10 = vector.shape_cast %swap3A_9 : vector<16xf32> to vector<16xf32>
      %swap3A_11 = vector.shape_cast %select_n3A : vector<16xf32> to vector<16xf32>
      tpu.vector_store %arg5[%swap3A], %swap3A_11 {strides = array<i32>} : memref<128xf32, #tpu.memory_space<vmem>>, vector<16xf32>,
      %get3A_12 = arith.constant 16 : index
      %get3A_13 = tpu.vector_load %arg4[%get3A_12] {strides = array<i32>} : memref<128xi32, #tpu.memory_space<vmem>>, vector<16xi32>,
      %get3A_14 = vector.shape_cast %get3A_13 : vector<16xi32> to vector<16xi32>
      %lt3A_15 = arith.constant 16 : i32
      %lt3A_16 = vector.broadcast %lt3A_15 : i32 to vector<16xi32>
      %lt3A_17 = arith.cmpi slt, %get3A_14, %lt3A_16 : vector<16xi32>
      %jit3A_18 = arith.constant 1.000000e+00 : f32
      %jit3A_19 = arith.constant 5.000000e-01 : f32
      %broadcast_in_dim3A_20 = vector.broadcast %jit3A_18 : f32 to vector<16xf32>
      %broadcast_in_dim3A_21 = vector.broadcast %jit3A_19 : f32 to vector<16xf32>
      %select_n3A_22 = arith.select %lt3A_17, %broadcast_in_dim3A_20, %broadcast_in_dim3A_21 : vector<16xi1>, vector<16xf32>
      %swap3A_23 = arith.constant 16 : index
      %swap3A_24 = tpu.vector_load %arg5[%swap3A_23] {strides = array<i32>} : memref<128xf32, #tpu.memory_space<vmem>>, vector<16xf32>,
      %swap3A_25 = vector.shape_cast %swap3A_24 : vector<16xf32> to vector<16xf32>
      %swap3A_26 = vector.shape_cast %select_n3A_22 : vector<16xf32> to vector<16xf32>
      tpu.vector_store %arg5[%swap3A_23], %swap3A_26 {strides = array<i32>} : memref<128xf32, #tpu.memory_space<vmem>>, vector<16xf32>,
      %get3A_27 = arith.constant 32 : index
      %get3A_28 = tpu.vector_load %arg4[%get3A_27] {strides = array<i32>} : memref<128xi32, #tpu.memory_space<vmem>>, vector<16xi32>,
      %get3A_29 = vector.shape_cast %get3A_28 : vector<16xi32> to vector<16xi32>
      %lt3A_30 = arith.constant 16 : i32
      %lt3A_31 = vector.broadcast %lt3A_30 : i32 to vector<16xi32>
      %lt3A_32 = arith.cmpi slt, %get3A_29, %lt3A_31 : vector<16xi32>
      %jit3A_33 = arith.constant 1.000000e+00 : f32
      %jit3A_34 = arith.constant 5.000000e-01 : f32
      %broadcast_in_dim3A_35 = vector.broadcast %jit3A_33 : f32 to vector<16xf32>
      %broadcast_in_dim3A_36 = vector.broadcast %jit3A_34 : f32 to vector<16xf32>
      %select_n3A_37 = arith.select %lt3A_32, %broadcast_in_dim3A_35, %broadcast_in_dim3A_36 : vector<16xi1>, vector<16xf32>
      %swap3A_38 = arith.constant 32 : index
      %swap3A_39 = tpu.vector_load %arg5[%swap3A_38] {strides = array<i32>} : memref<128xf32, #tpu.memory_space<vmem>>, vector<16xf32>,
      %swap3A_40 = vector.shape_cast %swap3A_39 : vector<16xf32> to vector<16xf32>
      %swap3A_41 = vector.shape_cast %select_n3A_37 : vector<16xf32> to vector<16xf32>
      tpu.vector_store %arg5[%swap3A_38], %swap3A_41 {strides = array<i32>} : memref<128xf32, #tpu.memory_space<vmem>>, vector<16xf32>,
      %get3A_42 = arith.constant 48 : index
      %get3A_43 = tpu.vector_load %arg4[%get3A_42] {strides = array<i32>} : memref<128xi32, #tpu.memory_space<vmem>>, vector<16xi32>,
      %get3A_44 = vector.shape_cast %get3A_43 : vector<16xi32> to vector<16xi32>
      %lt3A_45 = arith.constant 16 : i32
      %lt3A_46 = vector.broadcast %lt3A_45 : i32 to vector<16xi32>
      %lt3A_47 = arith.cmpi slt, %get3A_44, %lt3A_46 : vector<16xi32>
      %jit3A_48 = arith.constant 1.000000e+00 : f32
      %jit3A_49 = arith.constant 5.000000e-01 : f32
      %broadcast_in_dim3A_50 = vector.broadcast %jit3A_48 : f32 to vector<16xf32>
      %broadcast_in_dim3A_51 = vector.broadcast %jit3A_49 : f32 to vector<16xf32>
      %select_n3A_52 = arith.select %lt3A_47, %broadcast_in_dim3A_50, %broadcast_in_dim3A_51 : vector<16xi1>, vector<16xf32>
      %swap3A_53 = arith.constant 48 : index
      %swap3A_54 = tpu.vector_load %arg5[%swap3A_53] {strides = array<i32>} : memref<128xf32, #tpu.memory_space<vmem>>, vector<16xf32>,
      %swap3A_55 = vector.shape_cast %swap3A_54 : vector<16xf32> to vector<16xf32>
      %swap3A_56 = vector.shape_cast %select_n3A_52 : vector<16xf32> to vector<16xf32>
      tpu.vector_store %arg5[%swap3A_53], %swap3A_56 {strides = array<i32>} : memref<128xf32, #tpu.memory_space<vmem>>, vector<16xf32>,
      %get3A_57 = arith.constant 64 : index
      %get3A_58 = tpu.vector_load %arg4[%get3A_57] {strides = array<i32>} : memref<128xi32, #tpu.memory_space<vmem>>, vector<16xi32>,
      %get3A_59 = vector.shape_cast %get3A_58 : vector<16xi32> to vector<16xi32>
      %lt3A_60 = arith.constant 16 : i32
      %lt3A_61 = vector.broadcast %lt3A_60 : i32 to vector<16xi32>
      %lt3A_62 = arith.cmpi slt, %get3A_59, %lt3A_61 : vector<16xi32>
      %jit3A_63 = arith.constant 1.000000e+00 : f32
      %jit3A_64 = arith.constant 5.000000e-01 : f32
      %broadcast_in_dim3A_65 = vector.broadcast %jit3A_63 : f32 to vector<16xf32>
      %broadcast_in_dim3A_66 = vector.broadcast %jit3A_64 : f32 to vector<16xf32>
      %select_n3A_67 = arith.select %lt3A_62, %broadcast_in_dim3A_65, %broadcast_in_dim3A_66 : vector<16xi1>, vector<16xf32>
      %swap3A_68 = arith.constant 64 : index
      %swap3A_69 = tpu.vector_load %arg5[%swap3A_68] {strides = array<i32>} : memref<128xf32, #tpu.memory_space<vmem>>, vector<16xf32>,
      %swap3A_70 = vector.shape_cast %swap3A_69 : vector<16xf32> to vector<16xf32>
      %swap3A_71 = vector.shape_cast %select_n3A_67 : vector<16xf32> to vector<16xf32>
      tpu.vector_store %arg5[%swap3A_68], %swap3A_71 {strides = array<i32>} : memref<128xf32, #tpu.memory_space<vmem>>, vector<16xf32>,
      %get3A_72 = arith.constant 80 : index
      %get3A_73 = tpu.vector_load %arg4[%get3A_72] {strides = array<i32>} : memref<128xi32, #tpu.memory_space<vmem>>, vector<16xi32>,
      %get3A_74 = vector.shape_cast %get3A_73 : vector<16xi32> to vector<16xi32>
      %lt3A_75 = arith.constant 16 : i32
      %lt3A_76 = vector.broadcast %lt3A_75 : i32 to vector<16xi32>
      %lt3A_77 = arith.cmpi slt, %get3A_74, %lt3A_76 : vector<16xi32>
      %jit3A_78 = arith.constant 1.000000e+00 : f32
      %jit3A_79 = arith.constant 5.000000e-01 : f32
      %broadcast_in_dim3A_80 = vector.broadcast %jit3A_78 : f32 to vector<16xf32>
      %broadcast_in_dim3A_81 = vector.broadcast %jit3A_79 : f32 to vector<16xf32>
      %select_n3A_82 = arith.select %lt3A_77, %broadcast_in_dim3A_80, %broadcast_in_dim3A_81 : vector<16xi1>, vector<16xf32>
      %swap3A_83 = arith.constant 80 : index
      %swap3A_84 = tpu.vector_load %arg5[%swap3A_83] {strides = array<i32>} : memref<128xf32, #tpu.memory_space<vmem>>, vector<16xf32>,
      %swap3A_85 = vector.shape_cast %swap3A_84 : vector<16xf32> to vector<16xf32>
      %swap3A_86 = vector.shape_cast %select_n3A_82 : vector<16xf32> to vector<16xf32>
      tpu.vector_store %arg5[%swap3A_83], %swap3A_86 {strides = array<i32>} : memref<128xf32, #tpu.memory_space<vmem>>, vector<16xf32>,
      %get3A_87 = arith.constant 96 : index
      %get3A_88 = tpu.vector_load %arg4[%get3A_87] {strides = array<i32>} : memref<128xi32, #tpu.memory_space<vmem>>, vector<16xi32>,
      %get3A_89 = vector.shape_cast %get3A_88 : vector<16xi32> to vector<16xi32>
      %lt3A_90 = arith.constant 16 : i32
      %lt3A_91 = vector.broadcast %lt3A_90 : i32 to vector<16xi32>
      %lt3A_92 = arith.cmpi slt, %get3A_89, %lt3A_91 : vector<16xi32>
      %jit3A_93 = arith.constant 1.000000e+00 : f32
      %jit3A_94 = arith.constant 5.000000e-01 : f32
      %broadcast_in_dim3A_95 = vector.broadcast %jit3A_93 : f32 to vector<16xf32>
      %broadcast_in_dim3A_96 = vector.broadcast %jit3A_94 : f32 to vector<16xf32>
      %select_n3A_97 = arith.select %lt3A_92, %broadcast_in_dim3A_95, %broadcast_in_dim3A_96 : vector<16xi1>, vector<16xf32>
      %swap3A_98 = arith.constant 96 : index
      %swap3A_99 = tpu.vector_load %arg5[%swap3A_98] {strides = array<i32>} : memref<128xf32, #tpu.memory_space<vmem>>, vector<16xf32>,
      %swap3A_100 = vector.shape_cast %swap3A_99 : vector<16xf32> to vector<16xf32>
      %swap3A_101 = vector.shape_cast %select_n3A_97 : vector<16xf32> to vector<16xf32>
      tpu.vector_store %arg5[%swap3A_98], %swap3A_101 {strides = array<i32>} : memref<128xf32, #tpu.memory_space<vmem>>, vector<16xf32>,
      %get3A_102 = arith.constant 112 : index
      %get3A_103 = tpu.vector_load %arg4[%get3A_102] {strides = array<i32>} : memref<128xi32, #tpu.memory_space<vmem>>, vector<16xi32>,
      %get3A_104 = vector.shape_cast %get3A_103 : vector<16xi32> to vector<16xi32>
      %lt3A_105 = arith.constant 16 : i32
      %lt3A_106 = vector.broadcast %lt3A_105 : i32 to vector<16xi32>
      %lt3A_107 = arith.cmpi slt, %get3A_104, %lt3A_106 : vector<16xi32>
      %jit3A_108 = arith.constant 1.000000e+00 : f32
      %jit3A_109 = arith.constant 5.000000e-01 : f32
      %broadcast_in_dim3A_110 = vector.broadcast %jit3A_108 : f32 to vector<16xf32>
      %broadcast_in_dim3A_111 = vector.broadcast %jit3A_109 : f32 to vector<16xf32>
      %select_n3A_112 = arith.select %lt3A_107, %broadcast_in_dim3A_110, %broadcast_in_dim3A_111 : vector<16xi1>, vector<16xf32>
      %swap3A_113 = arith.constant 112 : index
      %swap3A_114 = tpu.vector_load %arg5[%swap3A_113] {strides = array<i32>} : memref<128xf32, #tpu.memory_space<vmem>>, vector<16xf32>,
      %swap3A_115 = vector.shape_cast %swap3A_114 : vector<16xf32> to vector<16xf32>
      %swap3A_116 = vector.shape_cast %select_n3A_112 : vector<16xf32> to vector<16xf32>
      tpu.vector_store %arg5[%swap3A_113], %swap3A_116 {strides = array<i32>} : memref<128xf32, #tpu.memory_space<vmem>>, vector<16xf32>,
      "tpu.region"() ({
        %run_scoped3A = tpu.sem_alloc : memref<!tpu.dma_semaphore, #tpu.memory_space<semaphore_mem>>
        tpu.enqueue_dma source(%arg5 : memref<128xf32, #tpu.memory_space<vmem>>) target(%arg3 : memref<128xf32, #tpu.memory_space<hbm>>) target_semaphore(%run_scoped3A : memref<!tpu.dma_semaphore, #tpu.memory_space<semaphore_mem>>)
        tpu.wait_dma2 semaphore(%run_scoped3A : memref<!tpu.dma_semaphore, #tpu.memory_space<semaphore_mem>>) src(%arg5 : memref<128xf32, #tpu.memory_space<vmem>>) dst(%arg3 : memref<128xf32, #tpu.memory_space<hbm>>)
        tpu.yield
      }) : () -> ()
    } else {
    }
    return
  }
}

module attributes {stable_mosaic.version = 14 : i64} {
  func.func @_moe_kernel(%arg0: i32, %arg1: memref<128x1xi32, #tpu.memory_space<vmem>>, %arg2: memref<128x768xf32, #tpu.memory_space<vmem>>, %arg3: memref<1x1536x768xf32, #tpu.memory_space<vmem>>, %arg4: memref<1x1536x768xf32, #tpu.memory_space<vmem>>, %arg5: memref<1x768x1536xf32, #tpu.memory_space<vmem>>, %arg6: memref<128x768xf32, #tpu.memory_space<vmem>>) attributes {dimension_semantics = [#tpu.dimension_semantics<arbitrary>], iteration_bounds = array<i64: 16>, scalar_prefetch = 0 : i64, scratch_operands = 0 : i64, tpu.core_type = #tpu.core_type<tc>, window_params = [{pipeline_mode = #tpu.pipeline_mode<synchronous>, transform_indices = @transform_0, window_bounds = array<i64: 128, 1>}, {pipeline_mode = #tpu.pipeline_mode<synchronous>, transform_indices = @transform_1, window_bounds = array<i64: 128, 768>}, {transform_indices = @transform_2, window_bounds = array<i64: 1, 1536, 768>}, {transform_indices = @transform_3, window_bounds = array<i64: 1, 1536, 768>}, {transform_indices = @transform_4, window_bounds = array<i64: 1, 768, 1536>}, {pipeline_mode = #tpu.pipeline_mode<synchronous>, transform_indices = @transform_5, window_bounds = array<i64: 128, 768>}]} {
    %get3A = arith.constant 0 : index
    %get3A_0 = arith.constant 0 : index
    %get3A_1 = vector.load %arg1[%get3A, %get3A_0] : memref<128x1xi32, #tpu.memory_space<vmem>>, vector<128x1xi32>
    %eq3A = vector.broadcast %arg0 : i32 to vector<128x1xi32>
    %eq3A_2 = arith.cmpi eq, %get3A_1, %eq3A : vector<128x1xi32>
    %get3A_3 = arith.constant 0 : index
    %get3A_4 = arith.constant 0 : index
    %get3A_5 = vector.load %arg2[%get3A_3, %get3A_4] : memref<128x768xf32, #tpu.memory_space<vmem>>, vector<128x768xf32>
    %jit3A = arith.constant 0.000000e+00 : f32
    %broadcast_in_dim3A = vector.shape_cast %eq3A_2 : vector<128x1xi1> to vector<128x1xi1>
    %broadcast_in_dim3A_6 = vector.broadcast %broadcast_in_dim3A : vector<128x1xi1> to vector<128x768xi1>
    %broadcast_in_dim3A_7 = vector.broadcast %jit3A : f32 to vector<128x768xf32>
    %select_n3A = arith.select %broadcast_in_dim3A_6, %get3A_5, %broadcast_in_dim3A_7 : vector<128x768xi1>, vector<128x768xf32>
    %get3A_8 = arith.constant 0 : index
    %get3A_9 = arith.constant 0 : index
    %get3A_10 = arith.constant 0 : index
    %get3A_11 = vector.load %arg3[%get3A_8, %get3A_9, %get3A_10] : memref<1x1536x768xf32, #tpu.memory_space<vmem>>, vector<1x1536x768xf32>
    %get3A_12 = vector.shape_cast %get3A_11 : vector<1x1536x768xf32> to vector<1536x768xf32>
    %dot_general3A = arith.constant dense<0.000000e+00> : vector<128x1536xf32>
    %dot_general3A_13 = tpu.matmul %select_n3A, %get3A_12, %dot_general3A {dimension_numbers = #tpu.dot_dimension_numbers<[1], [1], [0], [0], [0, 0, 1, 0], [], []>, transpose_lhs_hint = false} : vector<128x768xf32>, vector<1536x768xf32>, vector<128x1536xf32> -> vector<128x1536xf32>
    %get3A_14 = arith.constant 0 : index
    %get3A_15 = arith.constant 0 : index
    %get3A_16 = arith.constant 0 : index
    %get3A_17 = vector.load %arg4[%get3A_14, %get3A_15, %get3A_16] : memref<1x1536x768xf32, #tpu.memory_space<vmem>>, vector<1x1536x768xf32>
    %get3A_18 = vector.shape_cast %get3A_17 : vector<1x1536x768xf32> to vector<1536x768xf32>
    %dot_general3A_19 = arith.constant dense<0.000000e+00> : vector<128x1536xf32>
    %dot_general3A_20 = tpu.matmul %select_n3A, %get3A_18, %dot_general3A_19 {dimension_numbers = #tpu.dot_dimension_numbers<[1], [1], [0], [0], [0, 0, 1, 0], [], []>, transpose_lhs_hint = false} : vector<128x768xf32>, vector<1536x768xf32>, vector<128x1536xf32> -> vector<128x1536xf32>
    %logistic3A = arith.negf %dot_general3A_13 : vector<128x1536xf32>
    %logistic3A_21 = math.exp %logistic3A : vector<128x1536xf32>
    %logistic3A_22 = arith.constant 1.000000e+00 : f32
    %logistic3A_23 = vector.broadcast %logistic3A_22 : f32 to vector<128x1536xf32>
    %logistic3A_24 = arith.addf %logistic3A_23, %logistic3A_21 : vector<128x1536xf32>
    %logistic3A_25 = arith.divf %logistic3A_23, %logistic3A_24 : vector<128x1536xf32>
    %mul3A = arith.mulf %dot_general3A_13, %logistic3A_25 : vector<128x1536xf32>
    %mul3A_26 = arith.mulf %mul3A, %dot_general3A_20 : vector<128x1536xf32>
    %get3A_27 = arith.constant 0 : index
    %get3A_28 = arith.constant 0 : index
    %get3A_29 = arith.constant 0 : index
    %get3A_30 = vector.load %arg5[%get3A_27, %get3A_28, %get3A_29] : memref<1x768x1536xf32, #tpu.memory_space<vmem>>, vector<1x768x1536xf32>
    %get3A_31 = vector.shape_cast %get3A_30 : vector<1x768x1536xf32> to vector<768x1536xf32>
    %dot_general3A_32 = arith.constant dense<0.000000e+00> : vector<128x768xf32>
    %dot_general3A_33 = tpu.matmul %mul3A_26, %get3A_31, %dot_general3A_32 {dimension_numbers = #tpu.dot_dimension_numbers<[1], [1], [0], [0], [0, 0, 1, 0], [], []>, transpose_lhs_hint = false} : vector<128x1536xf32>, vector<768x1536xf32>, vector<128x768xf32> -> vector<128x768xf32>
    %eq3A_34 = arith.constant 0 : i32
    %eq3A_35 = arith.cmpi eq, %arg0, %eq3A_34 : i32
    %convert_element_type3A = arith.extui %eq3A_35 : i1 to i32
    %cond3A = arith.constant 0 : i32
    %cond3A_36 = arith.cmpi ne, %convert_element_type3A, %cond3A : i32
    scf.if %cond3A_36 {
      %broadcast_in_dim3A_42 = arith.constant 0.000000e+00 : f32
      %broadcast_in_dim3A_43 = vector.broadcast %broadcast_in_dim3A_42 : f32 to vector<128x768xf32>
      %swap3A_44 = arith.constant 0 : index
      %swap3A_45 = arith.constant 0 : index
      %swap3A_46 = vector.load %arg6[%swap3A_44, %swap3A_45] : memref<128x768xf32, #tpu.memory_space<vmem>>, vector<128x768xf32>
      tpu.vector_store %arg6[%swap3A_44, %swap3A_45], %broadcast_in_dim3A_43 {strides = array<i32>} : memref<128x768xf32, #tpu.memory_space<vmem>>, vector<128x768xf32>,
    } else {
    }
    %get3A_37 = arith.constant 0 : index
    %get3A_38 = arith.constant 0 : index
    %get3A_39 = vector.load %arg6[%get3A_37, %get3A_38] : memref<128x768xf32, #tpu.memory_space<vmem>>, vector<128x768xf32>
    %add3A = arith.addf %get3A_39, %dot_general3A_33 : vector<128x768xf32>
    %swap3A = arith.constant 0 : index
    %swap3A_40 = arith.constant 0 : index
    %swap3A_41 = vector.load %arg6[%swap3A, %swap3A_40] : memref<128x768xf32, #tpu.memory_space<vmem>>, vector<128x768xf32>
    tpu.vector_store %arg6[%swap3A, %swap3A_40], %add3A {strides = array<i32>} : memref<128x768xf32, #tpu.memory_space<vmem>>, vector<128x768xf32>,
    return
  }
  func.func @transform_0(%arg0: i32) -> (i32, i32) {
    %c0_i32 = arith.constant 0 : i32
    %c0_i32_0 = arith.constant 0 : i32
    %c0_i32_1 = arith.constant 0 : i32
    return %c0_i32, %c0_i32_0 : i32, i32
  }
  func.func @transform_1(%arg0: i32) -> (i32, i32) {
    %c0_i32 = arith.constant 0 : i32
    %c0_i32_0 = arith.constant 0 : i32
    %c0_i32_1 = arith.constant 0 : i32
    return %c0_i32, %c0_i32_0 : i32, i32
  }
  func.func @transform_2(%arg0: i32) -> (i32, i32, i32) {
    %c0_i32 = arith.constant 0 : i32
    %c0_i32_0 = arith.constant 0 : i32
    %c0_i32_1 = arith.constant 0 : i32
    return %arg0, %c0_i32, %c0_i32_0 : i32, i32, i32
  }
  func.func @transform_3(%arg0: i32) -> (i32, i32, i32) {
    %c0_i32 = arith.constant 0 : i32
    %c0_i32_0 = arith.constant 0 : i32
    %c0_i32_1 = arith.constant 0 : i32
    return %arg0, %c0_i32, %c0_i32_0 : i32, i32, i32
  }
  func.func @transform_4(%arg0: i32) -> (i32, i32, i32) {
    %c0_i32 = arith.constant 0 : i32
    %c0_i32_0 = arith.constant 0 : i32
    %c0_i32_1 = arith.constant 0 : i32
    return %arg0, %c0_i32, %c0_i32_0 : i32, i32, i32
  }
  func.func @transform_5(%arg0: i32) -> (i32, i32) {
    %c0_i32 = arith.constant 0 : i32
    %c0_i32_0 = arith.constant 0 : i32
    %c0_i32_1 = arith.constant 0 : i32
    return %c0_i32, %c0_i32_0 : i32, i32
  }
}

</mosaic_0001>

<sc_bundles>
// kernel: kernel.4.cloned.1.call-start
scs
__scs_entry_jumppad:
0x0: {  	(pc) =	sbr.rel $0x88, $3  }
0x1: {  	(tag) =	ssettag $0x0;
	lr =	simm.s32 $0x1  }
0x2: {  	[smem:$0x3F9C] =	sst lr;
	_ =	strace $0xD0000000  }
0x3: {  	_ = 	snop  }
0x4: {  	_ = 	snop  }
0x5: {  	_ = 	snop  }
0x6: {  	_ = 	snop  }
0x7: {  	_ = 	snop  }
__scs_overlays_trampoline_lowered:
0x8: {  	[smem:$0x3FAB] =	sst s0  }
0x9: {  	[smem:$0x3FAC] =	sst s1  }
0xa: {  	[smem:$0x3FAD] =	sst s2  }
0xb: {  	[smem:$0x3FAE] =	sst s3  }
0xc: {  	[smem:$0x3FAF] =	sst s4  }
0xd: {  	[smem:$0x3FB0] =	sst s5  }
0xe: {  	[smem:$0x3FB1] =	sst s6  }
0xf: {  	[smem:$0x3FB2] =	sst s7  }
0x10: {  	[smem:$0x3FB3] =	sst s8  }
0x11: {  	[smem:$0x3FB4] =	sst s9;
	s0 =	simm.s32 @!p0 $0x0  }
0x12: {  	s1 =	sld [smem:$0x3F9A];
	s0 =	simm.s32 @p0 $0x1  }
0x13: {  	[smem:$0x3FB5] =	sst s0;
	s0 =	simm.s32 @!p1 $0x0  }
0x14: {  	s2 =	sld [smem:$0x3F99];
	s0 =	simm.s32 @p1 $0x1  }
0x15: {  	[smem:$0x3FB6] =	sst s0;
	s0 =	simm.s32 @!p2 $0x0  }
0x16: {  	s3 =	sld [smem:$0x3FDB];
	s0 =	simm.s32 @p2 $0x1  }
0x17: {  	s4 =	simm.s32 $0x1BF5;
	[smem:$0x3FB8] =	sst s0  }
0x18: {  	s0 =	sld [smem:$0x3F9B];
	_ =	swait.ge [sflag:s4], $0x0  }
0x19: {  	s7 =	sld [smem:$0x3F9C]  }
0x1a: {  	s8 =	sadd.s32 $0xFFFFE003, lr  }
0x1b: {  	s9 =	sadd.s32 $0xFFFFFEF7, lr;
	s5 =	simm.s32 $0xFFFFFFFF;
	p2 =	slt.u32 s8, $0xFFFFF086  }
0x1c: {  	p1 =	slt.u32 s9, $0xF7A;
	s5 =	simm.s32 @!p2 $0x0  }
0x1d: {  	s5 =	simm.s32 @p1 $0x1;
	p0 =	seq.s32 s7, s2  }
0x1e: {  	s7 =	smul.u32 @!p0 $0xF7A, s2;
	p2 =	seq.s32 @!p0 s5, $0x0  }
0x1f: {  	s9 =	smul.u32 $0xF7A, s1;
	s8 =	simm.s32 @!p0 $0x1BF5;
	p2 =	por !p2, p0  }
0x20: {  	[sflag:s8] =	ssyncset.s32 @!p0 $0xFFFFF086;
	s6 =	sadd.s32 @!p0 s3, s7;
	s7 =	simm.s32 @!p0 $0x108  }
0x21: {  	s3 =	sadd.s32 s3, s9;
	s6 =	sadd.s32 @!p0 $0x88, s6;
	s7 =	simm.s32 @p2 $0x1082  }
0x22: {  	[simem:s7], [sflag:s8] =	dma.local @!p0 [hbm:s6], $0xF7A  }
0x23: {  	s9 =	sor.u32 $0xD0000000, s2;
	s6 =	simm.s32 $0x108;
	_ =	swait.ge @!p0 [sflag:s8], $0x0  }
0x24: {  	s3 =	sadd.s32 $0x88, s3;
	s6 =	simm.s32 @!p1 $0x1082;
	[sflag:s4] =	ssyncset.s32 $0xFFFFF086  }
0x25: {  	[simem:s6], [sflag:s4] =	dma.local [hbm:s3], $0xF7A  }
0x26: {  	[smem:$0x3F9C] =	sst s1;
	(tag) =	ssettag s2;
	_ =	strace s9  }
0x27: {  	s1 =	sld [smem:$0x3FAC]  }
0x28: {  	s2 =	sld [smem:$0x3FAD]  }
0x29: {  	s4 =	sld [smem:$0x3FAF]  }
0x2a: {  	p0 =	seq.s32 s5, $0x0;
	s5 =	sld [smem:$0x3FB0]  }
0x2b: {  	s6 =	sld [smem:$0x3FB1]  }
0x2c: {  	s7 =	sld [smem:$0x3FB2]  }
0x2d: {  	s3 =	simm.s32 $0x108;
	s8 =	sld [smem:$0x3FB3]  }
0x2e: {  	s3 =	simm.s32 @!p0 $0x1082;
	s9 =	sld [smem:$0x3FB4]  }
0x2f: {  	lr =	sadd.s32 s0, s3;
	s0 =	sld [smem:$0x3FAB]  }
0x30: {  	s3 =	sld [smem:$0x3FAE]  }
0x31: {  	[smem:$0x3FB7] =	sst s10  }
0x32: {  	s10 =	sld [smem:$0x3FB5];
	_ =	sdelay $0x3  }
0x33: {  	p0 =	seq.s32 s10, $0x1;
	s10 =	sld [smem:$0x3FB7];
	_ =	sdelay $0x3  }
0x34: {  	[smem:$0x3FB7] =	sst s10  }
0x35: {  	s10 =	sld [smem:$0x3FB6];
	_ =	sdelay $0x3  }
0x36: {  	p1 =	seq.s32 s10, $0x1;
	s10 =	sld [smem:$0x3FB7];
	_ =	sdelay $0x3  }
0x37: {  	[smem:$0x3FB7] =	sst s10  }
0x38: {  	s10 =	sld [smem:$0x3FB8]  }
0x39: {  	_ = 	snop;
	(pc) =	sbr.ind lr, $3  }
0x3a: {  	_ = 	snop  }
0x3b: {  	_ = 	snop  }
0x3c: {  	p2 =	seq.s32 s10, $0x1;
	s10 =	sld [smem:$0x3FB7]  }
0x3d: {  	_ =	shalt  }
0x3e: {  	_ =	shalt  }
0x3f: {  	_ =	shalt  }
0x40: {  	_ =	shalt  }
0x41: {  	_ =	shalt  }
0x42: {  	_ =	shalt  }
0x43: {  	_ =	shalt  }
0x44: {  	_ =	shalt  }
0x45: {  	_ =	shalt  }
0x46: {  	_ =	shalt  }
0x47: {  	_ =	shalt  }
0x48: {  	_ =	shalt  }
0x49: {  	_ =	shalt  }
0x4a: {  	_ =	shalt  }
0x4b: {  	_ =	shalt  }
0x4c: {  	_ =	shalt  }
0x4d: {  	_ =	shalt  }
0x4e: {  	_ =	shalt  }
0x4f: {  	_ =	shalt  }
0x50: {  	_ =	shalt  }
0x51: {  	_ =	shalt  }
0x52: {  	_ =	shalt  }
0x53: {  	_ =	shalt  }
0x54: {  	_ =	shalt  }
0x55: {  	_ =	shalt  }
0x56: {  	_ =	shalt  }
0x57: {  	_ =	shalt  }
0x58: {  	_ =	shalt  }
0x59: {  	_ =	shalt  }
0x5a: {  	_ =	shalt  }
0x5b: {  	_ =	shalt  }
0x5c: {  	_ =	shalt  }
0x5d: {  	_ =	shalt  }
0x5e: {  	_ =	shalt  }
0x5f: {  	_ =	shalt  }
0x60: {  	_ =	shalt  }
0x61: {  	_ =	shalt  }
0x62: {  	_ =	shalt  }
0x63: {  	_ =	shalt  }
0x64: {  	_ =	shalt  }
0x65: {  	_ =	shalt  }
0x66: {  	_ =	shalt  }
0x67: {  	_ =	shalt  }
0x68: {  	_ =	shalt  }
0x69: {  	_ =	shalt  }
0x6a: {  	_ =	shalt  }
0x6b: {  	_ =	shalt  }
0x6c: {  	_ =	shalt  }
0x6d: {  	_ =	shalt  }
0x6e: {  	_ =	shalt  }
0x6f: {  	_ =	shalt  }
0x70: {  	_ =	shalt  }
0x71: {  	_ =	shalt  }
0x72: {  	_ =	shalt  }
0x73: {  	_ =	shalt  }
0x74: {  	_ =	shalt  }
0x75: {  	_ =	shalt  }
0x76: {  	_ =	shalt  }
0x77: {  	_ =	shalt  }
0x78: {  	_ =	shalt  }
0x79: {  	_ =	shalt  }
0x7a: {  	_ =	shalt  }
0x7b: {  	_ =	shalt  }
0x7c: {  	_ =	shalt  }
0x7d: {  	_ =	shalt  }
0x7e: {  	_ =	shalt  }
0x7f: {  	_ =	shalt  }
0x80: {  	_ =	shalt  }
0x81: {  	_ =	shalt  }
0x82: {  	_ =	shalt  }
0x83: {  	_ =	shalt  }
0x84: {  	_ =	shalt  }
0x85: {  	_ =	shalt  }
0x86: {  	_ =	shalt  }
0x87: {  	_ =	shalt  }
.Lfunc_end0:
.L_simem_size_0:
called_computation_lowered:
.L_overlay_start_0:
0x88: {  	s2 =	sld [smem:$0x3FD9]  }
0x89: {  	s3 =	sld [smem:$0x3FFE];
	_ =	sdelay $0x1  }
0x8a: {  	s1 =	srdreg.scid  }
0x8b: {  	s0 =	sand.u32 $0x1, s1  }
0x8c: {  	s17 =	sshll.u32 s0, $0xA;
	s2 =	sadd.s32 s3, s2  }
0x8d: {  	s2 =	sadd.s32 s2, s17  }
0x8e: {  	[smem:$0x3FC3] =	sst s2  }
0x8f: {  	_ = 	snop  }
0x90: {  	s2 =	sld [smem:$0x3FC8];
	(tm) =	ssettm $0x1  }
0x91: {  	s18 =	sld [smem:$0x3FFB];
	_ =	sdelay $0x3  }
0x92: {  	_ =	strace s18  }
0x93: {  	s3 =	sld [smem:$0x3FFC];
	_ =	sdelay $0x3  }
0x94: {  	_ =	strace s3  }
0x95: {  	s3 =	sld [smem:$0x3FFD];
	_ =	sdelay $0x3  }
0x96: {  	_ =	strace s3  }
0x97: {  	_ =	strace $0x8FFFFFFF  }
0x98: {  	s19 =	sld [smem:$0x3FDB];
	_ =	sdelay $0x1  }
0x99: {  	s4 =	simm.s32 $_scs_section_size  }
0x9a: {  	s5 =	simm.s32 $_size__tile_overlayer_lowered;
	s6 =	simm.s32 $_tile_overlayer_lowered  }
0x9b: {  	s22 =	simm.s32 $0x1BFF;
	s21 =	sshll.u32 s6, $0x1;
	s3 =	sadd.s32 s4, s19  }
0x9c: {  	s7 =	simm.s32 $0x0;
	s20 =	sshll.u32 s5, $0x1;
	s5 =	sadd.s32 s21, s3  }
0x9d: {  	[timem:s7], [sflag:s22] =	dma.local [hbm:s5], s20  }
0x9e: {  	_ =	swait.ge [sflag:s22], s20  }
0x9f: {  	s4 =	ssub.s32 $0x0, s20;
	[sflag:s22] =	ssyncset.done $0x0  }
0xa0: {  	[sflag:s22] =	ssyncadd.s32 s4;
	_ =	sdelay $0x1  }
0xa1: {  	s23 =	simm.s32 $0x1B8B  }
0xa2: {  	_ =	swait.ge [sflag:s23], $0x1  }
0xa3: {  	[sflag:s23] =	ssyncset.done $0x0  }
0xa4: {  	s25 =	simm.s32 $0x1B8E;
	s24 =	sld [smem:$0x3FFE];
	[sflag:s23] =	ssyncadd.s32 $0xFFFFFFFF  }
0xa5: {  	s26 =	simm.s32 $execute0_lowered;
	[smem:$0x3FD2] =	sst s25  }
0xa6: {  	s5 =	sshll.u32 s26, $0x1;
	_ =	strace $0x80000046;
	[dreg:$0x1] =	wrdreg $0xFFFFFFFF  }
0xa7: {  	s28 =	simm.s32 $_size_execute0_lowered;
	s3 =	sadd.s32 s3, s5;
	[dreg:$0x0] =	wrdreg $0x0  }
0xa8: {  	s5 =	sshll.u32 s28, $0x1;
	[dreg:$0x2] =	wrdreg s3  }
0xa9: {  	[dreg:$0x3] =	wrdreg s5  }
0xaa: {  	[dreg:$0x4] =	wrdreg $0xC0  }
0xab: {  	_ =	task [dreg:s7], $0x5FFFF  }
0xac: {  	[dreg:$0x1] =	wrdreg $0xFFFFFFFF  }
0xad: {  	[dreg:$0x0] =	wrdreg $0x60  }
0xae: {  	[dreg:$0x2] =	wrdreg s2  }
0xaf: {  	[dreg:$0x3] =	wrdreg s24  }
0xb0: {  	[dreg:$0x4] =	wrdreg $0x9  }
0xb1: {  	_ =	task.clear_ibuf [dreg:s7], $0x5FFFF;
	_ =	strace $0x90000046  }
0xb2: {  	s29 =	simm.s32 $0x9;
	_ =	strace $0x80000048  }
0xb3: {  	_ =	swait.ge [sflag:s29], $0x1  }
0xb4: {  	[sflag:s29] =	ssyncadd.s32 $0xFFFFFFFF  }
0xb5: {  	_ =	strace $0x90000048  }
0xb6: {  	_ =	sfence  }
0xb7: {  	s30 =	sld [smem:$0x0];
	_ =	sdelay $0x2  }
0xb8: {  	s31 =	sshll.u32 s1, $0xD;
	s1 =	sshrl.u32 s1, $0x2  }
0xb9: {  	s3 =	sand.u32 $0x4000, s31;
	s1 =	sadd.s32 s1, s30  }
0xba: {  	s0 =	sor.u32 s3, s0;
	s1 =	sshll.u32 s1, $0x11  }
0xbb: {  	s0 =	sor.u32 s1, s0  }
0xbc: {  	s0 =	sadd.s32 $0x8F2B, s0  }
0xbd: {  	[sflag:s0] =	ssyncadd.remote.s32 $0x1  }
0xbe: {  	_ =	sfence.sel $0xFFFF  }
0xbf: {  	[dreg:$0x0] =	wrdreg $0xFFFFFFFF;
	(pc) =	sbr.abs _section_cstart, $3  }
0xc0: {  	[dreg:$0x1] =	wrdreg $0xFFFFFFFF  }
0xc1: {  	_ =	task.clear_ibuf [dreg:s7], $0x2FFFF;
	_ =	strace $0x9FFFFFFF  }
0xc2: {  	(tm) =	ssettm $0x7FFFFFFF  }
0xc3: {  	_ =	shalt  }
tec
execute0_lowered:
.L_overlay_start_1:
0x0: {  	(tag) =	ssettag $0x1  }
0x1: {  	s0 =	srdreg.scid  }
0x2: {  	s2 =	sand.u32 $0x1, s0;
	s0 =	stileid.u32  }
0x3: {  	s4 =	sshll.u32 s0, $0x1;
	s5 =	ssub.s32 $0x0, s2  }
0x4: {  	p0 =	sne.s32 s4, s5  }
.Ltmp0:
0x5: {  	_ = 	snop;
	(pc) =	sbr.rel @p0 .LBB2_10-.Ltmp0, $4  }
0x6: {  	_ = 	snop  }
0x7: {  	s6 =	rddreg [dreg:$0x0]  }
0x8: {  	s3 =	rddreg [dreg:$0x1]  }
0x9: {  	s1 =	rddreg [dreg:$0x2];
	_ =	strace $0x80000047  }
0xa: {  	s4 =	ssub.s32 $0x2, s2  }
0xb: {  	s5 =	sshrl.u32 s4, $0x1  }
0xc: {  	s31 =	ssub.s32 s4, s5  }
0xd: {  	s7 =	smax.u32 s31, $0x1  }
0xe: {  	p3 =	sne.s32 s7, $0x1  }
.Ltmp1:
0xf: {  	_ = 	snop;
	(pc) =	sbr.rel @!p3 .LBB2_2-.Ltmp1, $4  }
0x10: {  	_ = 	snop  }
0x11: {  	s2 =	sadd.s32 $0x600, s3;
	s3 =	simm.s32 $0x1  }
0x12: {  	p0 =	por $0x0, $0x0;
	p1 =	por $0x0, $0x0;
	p2 =	por $0x0, $0x0  }
0x13: {  	v0 =	vimm.f32 $5.000000000e-01;
	s4 =	simm.s32 $0x0;
	s5 =	simm.s32 $0x80;
	s7 =	sadd.s32 $0xFFFFFFFF, s7  }
0x14: {  	p3 =	sne.s32 s7, $0x1  }
.Ltmp2:
0x15: {  	_ = 	snop;
	(pc) =	sbr.rel @!p3 .LBB2_4-.Ltmp2, $2  }
0x16: {  	_ =	sdelay $0x2  }
0x17: {  	s7 =	sadd.s32 $0xFFFFFFFF, s7;
	p0 =	por $0x1, $0x1  }
0x18: {  	p3 =	sne.s32 s7, $0x1  }
.Ltmp3:
0x19: {  	_ = 	snop;
	(pc) =	sbr.rel @!p3 .LBB2_6-.Ltmp3, $2  }
0x1a: {  	_ =	sdelay $0x2  }
0x1b: {  	s7 =	sadd.s32 $0xFFFFFFFF, s7;
	p1 =	por $0x1, $0x1  }
0x1c: {  	[tilespmem:s4], [sflag:$0x1] =	stream.linear.gather [hbm4b:s6+s4], $0x80, $0x38;
	[tilespmem:$0x100] =	vst v63  }
0x1d: {  	_ =	swait.ge [sflag:s3], $0x80  }
0x1e: {  	[sflag:s3] =	ssyncset.done $0x0  }
0x1f: {  	[sflag:s3] =	ssyncadd.s32 $0xFFFFFF80  }
0x20: {  	v1 =	vld [tilespmem:$0x30]  }
0x21: {  	v2 =	vld [tilespmem:$0x0]  }
0x22: {  	v3 =	vld [tilespmem:$0x40]  }
0x23: {  	v4 =	vld [tilespmem:$0x20]  }
0x24: {  	v5 =	vld [tilespmem:$0x10]  }
0x25: {  	vm0 =	vlt.s32 v1, $0x10;
	v1 =	vld [tilespmem:$0x70]  }
0x26: {  	v6 =	vld [tilespmem:$0x50];
	vm1 =	vlt.s32 v2, $0x10;
	v2 =	vsel vm0, $0x3F800000, v0  }
0x27: {  	p3 =	sne.s32 s7, $0x1;
	v7 =	vsel vm1, $0x3F800000, v0;
	vm0 =	vlt.s32 v3, $0x10;
	[tilespmem:$0xB0] =	vst v2;
	v2 =	vld [tilespmem:$0x60]  }
.Ltmp4:
0x28: {  	vm1 =	vlt.s32 v4, $0x10;
	[tilespmem:$0x80] =	vst v7;
	v3 =	vsel vm0, $0x3F800000, v0;
	(pc) =	sbr.rel @!p3 .LBB2_9-.Ltmp4, $4  }
0x29: {  	vm0 =	vlt.s32 v5, $0x10;
	v4 =	vsel vm1, $0x3F800000, v0;
	[tilespmem:$0xC0] =	vst v3  }
0x2a: {  	v3 =	vsel vm0, $0x3F800000, v0;
	[tilespmem:$0xA0] =	vst v4;
	vm0 =	vlt.s32 v1, $0x10  }
0x2b: {  	vm1 =	vlt.s32 v6, $0x10;
	[tilespmem:$0x90] =	vst v3;
	v3 =	vsel vm0, $0x3F800000, v0  }
0x2c: {  	s7 =	sadd.s32 $0xFFFFFFFF, s7;
	p2 =	por $0x1, $0x1;
	v1 =	vsel vm1, $0x3F800000, v0;
	vm0 =	vlt.s32 v2, $0x10;
	[tilespmem:$0xF0] =	vst v3  }
.LBB2_8:
0x2d: {  	p3 =	sne.s32 s7, $0x1;
	s7 =	sadd.s32 $0xFFFFFFFF, s7;
	[tilespmem:$0xD0] =	vst v1;
	v1 =	vsel vm0, $0x3F800000, v0  }
0x2e: {  	[tilespmem:$0xE0] =	vst v1  }
0x2f: {  	[hbm4b:s2+s4] =	stream.linear.scatter [tilespmem:s5], [sflag:$0x1], $0x80, $0x38;
	[tilespmem:$0x100] =	vst v63  }
0x30: {  	_ =	swait.ge [sflag:s3], $0x80  }
0x31: {  	[sflag:s3] =	ssyncset.done $0x0  }
0x32: {  	[sflag:s3] =	ssyncadd.s32 $0xFFFFFF80  }
0x33: {  	[tilespmem:s4], [sflag:$0x1] =	stream.linear.gather [hbm4b:s6+s4], $0x80, $0x38;
	[tilespmem:$0x100] =	vst v63  }
0x34: {  	_ =	swait.ge [sflag:s3], $0x80  }
0x35: {  	[sflag:s3] =	ssyncset.done $0x0  }
0x36: {  	[sflag:s3] =	ssyncadd.s32 $0xFFFFFF80  }
0x37: {  	v1 =	vld [tilespmem:$0x30]  }
0x38: {  	v2 =	vld [tilespmem:$0x0]  }
0x39: {  	v3 =	vld [tilespmem:$0x40]  }
0x3a: {  	v4 =	vld [tilespmem:$0x20]  }
0x3b: {  	v5 =	vld [tilespmem:$0x10]  }
0x3c: {  	vm0 =	vlt.s32 v1, $0x10;
	v1 =	vld [tilespmem:$0x70]  }
0x3d: {  	vm1 =	vlt.s32 v2, $0x10;
	v2 =	vsel vm0, $0x3F800000, v0;
	v6 =	vld [tilespmem:$0x50]  }
0x3e: {  	v7 =	vsel vm1, $0x3F800000, v0;
	[tilespmem:$0xB0] =	vst v2;
	vm0 =	vlt.s32 v3, $0x10;
	v2 =	vld [tilespmem:$0x60]  }
.Ltmp5:
0x3f: {  	[tilespmem:$0x80] =	vst v7;
	vm1 =	vlt.s32 v4, $0x10;
	v3 =	vsel vm0, $0x3F800000, v0;
	(pc) =	sbr.rel @p3 .LBB2_8-.Ltmp5, $4  }
0x40: {  	vm0 =	vlt.s32 v5, $0x10;
	v4 =	vsel vm1, $0x3F800000, v0;
	[tilespmem:$0xC0] =	vst v3  }
0x41: {  	v3 =	vsel vm0, $0x3F800000, v0;
	[tilespmem:$0xA0] =	vst v4;
	vm0 =	vlt.s32 v1, $0x10  }
0x42: {  	[tilespmem:$0x90] =	vst v3;
	vm1 =	vlt.s32 v6, $0x10;
	v3 =	vsel vm0, $0x3F800000, v0  }
0x43: {  	v1 =	vsel vm1, $0x3F800000, v0;
	vm0 =	vlt.s32 v2, $0x10;
	[tilespmem:$0xF0] =	vst v3  }
.LBB2_9:
0x44: {  	[tilespmem:$0xD0] =	vst @p2 v1;
	v1 =	vsel @p2 vm0, $0x3F800000, v0  }
0x45: {  	[tilespmem:$0xE0] =	vst @p2 v1  }
0x46: {  	[hbm4b:s2+s4] =	stream.linear.scatter @p2 [tilespmem:s5], [sflag:$0x1], $0x80, $0x38;
	[tilespmem:$0x100] =	vst v63  }
0x47: {  	_ =	swait.ge @p2 [sflag:s3], $0x80  }
0x48: {  	[sflag:s3] =	ssyncset.done @p2 $0x0  }
0x49: {  	[sflag:s3] =	ssyncadd.s32 @p2 $0xFFFFFF80  }
0x4a: {  	[tilespmem:s4], [sflag:$0x1] =	stream.linear.gather @p1 [hbm4b:s6+s4], $0x80, $0x38;
	[tilespmem:$0x100] =	vst v63  }
0x4b: {  	_ =	swait.ge @p1 [sflag:s3], $0x80  }
0x4c: {  	[sflag:s3] =	ssyncset.done @p1 $0x0  }
0x4d: {  	[sflag:s3] =	ssyncadd.s32 @p1 $0xFFFFFF80  }
0x4e: {  	v1 =	vld @p1 [tilespmem:$0x30]  }
0x4f: {  	v2 =	vld @p1 [tilespmem:$0x0]  }
0x50: {  	v3 =	vld @p1 [tilespmem:$0x40]  }
0x51: {  	v4 =	vld @p1 [tilespmem:$0x20]  }
0x52: {  	v5 =	vld @p1 [tilespmem:$0x10]  }
0x53: {  	v6 =	vld @p1 [tilespmem:$0x70]  }
0x54: {  	vm0 =	vlt.s32 @p1 v1, $0x10;
	v1 =	vld @p1 [tilespmem:$0x50]  }
0x55: {  	v7 =	vld @p1 [tilespmem:$0x60];
	vm1 =	vlt.s32 @p1 v2, $0x10;
	v2 =	vsel @p1 vm0, $0x3F800000, v0  }
0x56: {  	vm0 =	vlt.s32 @p1 v3, $0x10;
	[tilespmem:$0xB0] =	vst @p1 v2;
	v2 =	vsel @p1 vm1, $0x3F800000, v0  }
0x57: {  	vm1 =	vlt.s32 @p1 v4, $0x10;
	[tilespmem:$0x80] =	vst @p1 v2;
	v2 =	vsel @p1 vm0, $0x3F800000, v0  }
0x58: {  	vm0 =	vlt.s32 @p1 v5, $0x10;
	v3 =	vsel @p1 vm1, $0x3F800000, v0;
	[tilespmem:$0xC0] =	vst @p1 v2  }
0x59: {  	v2 =	vsel @p1 vm0, $0x3F800000, v0;
	[tilespmem:$0xA0] =	vst @p1 v3;
	vm0 =	vlt.s32 @p1 v6, $0x10;
	vm1 =	vlt.s32 @p1 v1, $0x10  }
0x5a: {  	[tilespmem:$0x90] =	vst @p1 v2;
	v1 =	vsel @p1 vm0, $0x3F800000, v0;
	vm0 =	vlt.s32 @p1 v7, $0x10;
	v2 =	vsel @p1 vm1, $0x3F800000, v0  }
0x5b: {  	[tilespmem:$0xF0] =	vst @p1 v1;
	vm0 =	vmmov @p1 vm0;
	v1 =	vpsel p1, v2, v0  }
0x5c: {  	[tilespmem:$0xD0] =	vst @p1 v1;
	v1 =	vsel @p1 vm0, $0x3F800000, v0  }
0x5d: {  	[tilespmem:$0xE0] =	vst @p1 v1  }
0x5e: {  	[hbm4b:s2+s4] =	stream.linear.scatter @p1 [tilespmem:s5], [sflag:$0x1], $0x80, $0x38;
	[tilespmem:$0x100] =	vst v63  }
0x5f: {  	_ =	swait.ge @p1 [sflag:s3], $0x80  }
0x60: {  	[sflag:s3] =	ssyncset.done @p1 $0x0  }
0x61: {  	[sflag:s3] =	ssyncadd.s32 @p1 $0xFFFFFF80  }
0x62: {  	[tilespmem:s4], [sflag:$0x1] =	stream.linear.gather @p0 [hbm4b:s6+s4], $0x80, $0x38;
	[tilespmem:$0x100] =	vst v63  }
0x63: {  	_ =	swait.ge @p0 [sflag:s3], $0x80  }
0x64: {  	[sflag:s3] =	ssyncset.done @p0 $0x0  }
0x65: {  	[sflag:s3] =	ssyncadd.s32 @p0 $0xFFFFFF80  }
0x66: {  	v1 =	vld @p0 [tilespmem:$0x30]  }
0x67: {  	v2 =	vld @p0 [tilespmem:$0x0]  }
0x68: {  	v3 =	vld @p0 [tilespmem:$0x40]  }
0x69: {  	v4 =	vld @p0 [tilespmem:$0x20]  }
0x6a: {  	v5 =	vld @p0 [tilespmem:$0x10]  }
0x6b: {  	v6 =	vld @p0 [tilespmem:$0x70]  }
0x6c: {  	vm0 =	vlt.s32 @p0 v1, $0x10;
	v1 =	vld @p0 [tilespmem:$0x50]  }
0x6d: {  	v7 =	vld @p0 [tilespmem:$0x60];
	vm1 =	vlt.s32 @p0 v2, $0x10;
	v2 =	vsel @p0 vm0, $0x3F800000, v0  }
0x6e: {  	vm0 =	vlt.s32 @p0 v3, $0x10;
	[tilespmem:$0xB0] =	vst @p0 v2;
	v2 =	vsel @p0 vm1, $0x3F800000, v0  }
0x6f: {  	vm1 =	vlt.s32 @p0 v4, $0x10;
	[tilespmem:$0x80] =	vst @p0 v2;
	v2 =	vsel @p0 vm0, $0x3F800000, v0  }
0x70: {  	vm0 =	vlt.s32 @p0 v5, $0x10;
	v3 =	vsel @p0 vm1, $0x3F800000, v0;
	[tilespmem:$0xC0] =	vst @p0 v2  }
0x71: {  	v2 =	vsel @p0 vm0, $0x3F800000, v0;
	[tilespmem:$0xA0] =	vst @p0 v3;
	vm0 =	vlt.s32 @p0 v6, $0x10;
	vm1 =	vlt.s32 @p0 v1, $0x10  }
0x72: {  	[tilespmem:$0x90] =	vst @p0 v2;
	v1 =	vsel @p0 vm0, $0x3F800000, v0;
	vm0 =	vlt.s32 @p0 v7, $0x10;
	v2 =	vsel @p0 vm1, $0x3F800000, v0  }
0x73: {  	[tilespmem:$0xF0] =	vst @p0 v1;
	vm0 =	vmmov @p0 vm0;
	v1 =	vpsel p0, v2, v0  }
0x74: {  	[tilespmem:$0xD0] =	vst @p0 v1;
	v1 =	vsel @p0 vm0, $0x3F800000, v0  }
0x75: {  	[tilespmem:$0xE0] =	vst @p0 v1  }
0x76: {  	[hbm4b:s2+s4] =	stream.linear.scatter @p0 [tilespmem:s5], [sflag:$0x1], $0x80, $0x38;
	[tilespmem:$0x100] =	vst v63  }
0x77: {  	_ =	swait.ge @p0 [sflag:s3], $0x80  }
0x78: {  	[sflag:s3] =	ssyncset.done @p0 $0x0  }
0x79: {  	[sflag:s3] =	ssyncadd.s32 @p0 $0xFFFFFF80  }
0x7a: {  	[tilespmem:s4], [sflag:$0x1] =	stream.linear.gather [hbm4b:s6+s4], $0x80, $0x38;
	[tilespmem:$0x100] =	vst v63  }
0x7b: {  	_ =	swait.ge [sflag:s3], $0x80  }
0x7c: {  	[sflag:s3] =	ssyncset.done $0x0  }
0x7d: {  	[sflag:s3] =	ssyncadd.s32 $0xFFFFFF80  }
0x7e: {  	v51 =	vld [tilespmem:$0x30]  }
0x7f: {  	v52 =	vld [tilespmem:$0x0]  }
0x80: {  	v53 =	vld [tilespmem:$0x40]  }
0x81: {  	v54 =	vld [tilespmem:$0x20]  }
0x82: {  	v55 =	vld [tilespmem:$0x10]  }
0x83: {  	v56 =	vld [tilespmem:$0x70];
	vm8 =	vlt.s32 v51, $0x10  }
0x84: {  	v58 =	vld [tilespmem:$0x50];
	vm9 =	vlt.s32 v52, $0x10;
	v57 =	vsel vm8, $0x3F800000, v0  }
0x85: {  	v60 =	vld [tilespmem:$0x60];
	vm10 =	vlt.s32 v53, $0x10;
	v59 =	vsel vm9, $0x3F800000, v0;
	[tilespmem:$0xB0] =	vst v57  }
0x86: {  	vm11 =	vlt.s32 v54, $0x10;
	v3 =	vsel vm10, $0x3F800000, v0;
	[tilespmem:$0x80] =	vst v59  }
0x87: {  	vm12 =	vlt.s32 v55, $0x10;
	v4 =	vsel vm11, $0x3F800000, v0;
	[tilespmem:$0xC0] =	vst v3  }
0x88: {  	vm13 =	vlt.s32 v56, $0x10;
	v61 =	vsel vm12, $0x3F800000, v0;
	[tilespmem:$0xA0] =	vst v4  }
0x89: {  	vm14 =	vlt.s32 v58, $0x10;
	v1 =	vsel vm13, $0x3F800000, v0;
	[tilespmem:$0x90] =	vst v61  }
0x8a: {  	vm15 =	vlt.s32 v60, $0x10;
	v62 =	vsel vm14, $0x3F800000, v0;
	[tilespmem:$0xF0] =	vst v1  }
0x8b: {  	v63 =	vsel vm15, $0x3F800000, v0;
	[tilespmem:$0xD0] =	vst v62  }
0x8c: {  	[tilespmem:$0xE0] =	vst v63  }
0x8d: {  	[hbm4b:s2+s4] =	stream.linear.scatter [tilespmem:s5], [sflag:$0x1], $0x80, $0x38;
	[tilespmem:$0x100] =	vst v63  }
0x8e: {  	_ =	swait.ge [sflag:s3], $0x80  }
0x8f: {  	[sflag:s3] =	ssyncset.done $0x0  }
0x90: {  	[sflag:s3] =	ssyncadd.s32 $0xFFFFFF80  }
.LBB2_10:
0x91: {  	_ =	sfence.sel $0x180000  }
0x92: {  	[bflag:$0x0] =	sbarrier.arrive $0xFFFF  }
0x93: {  	p0 =	sne.s32 s0, $0x0;
	_ =	strace $0x90000047  }
0x94: {  	s0 =	sadd.s32 @!p0 $0x100000, s1;
	[bflag:$0x2] =	sbarrier.arrive $0xFFFF  }
0x95: {  	[sflag:s0] =	ssyncadd.tile.s32 @!p0 $0x1;
	_ =	shalt  }
.LBB2_2:
.Ltmp6:
0x96: {  	(pc) =	sbr.rel .LBB2_9-.Ltmp6, $2  }
0x97: {  	_ =	sdelay $0x2  }
0x98: {  	_ = 	snop  }
.LBB2_4:
.Ltmp7:
0x99: {  	(pc) =	sbr.rel .LBB2_9-.Ltmp7, $2  }
0x9a: {  	_ =	sdelay $0x2  }
0x9b: {  	_ = 	snop  }
.LBB2_6:
.Ltmp8:
0x9c: {  	(pc) =	sbr.rel .LBB2_9-.Ltmp8, $2  }
0x9d: {  	_ =	sdelay $0x2  }
0x9e: {  	_ = 	snop  }
.Lfunc_end2:
_tile_overlayer_lowered:
.L_overlay_start_2:
0x9f: {  	(tag) =	ssettag $0x2  }
0xa0: {  	s0 =	rddreg [dreg:$0x0];
	s2 =	stileid.u32  }
0xa1: {  	s1 =	rddreg [dreg:$0x1];
	p0 =	sne.s32 s2, $0x0  }
0xa2: {  	s3 =	rddreg [dreg:$0x2];
	[bflag:$0x3] =	sbarrier.arrive $0xFFFF;
	s2 =	simm.s32 @!p0 $0x1C01  }
0xa3: {  	[timem:s3], [sflag:s2] =	dma.local @!p0 [hbm:s0], s1  }
0xa4: {  	s0 =	simm.s32 @!p0 $0x1  }
0xa5: {  	_ =	swait.ge @!p0 [sflag:s0], s1  }
0xa6: {  	s1 =	ssub.s32 @!p0 $0x0, s1;
	[sflag:s0] =	ssyncset.done @!p0 $0x0  }
0xa7: {  	[sflag:s0] =	ssyncadd.s32 @!p0 s1  }
0xa8: {  	[bflag:$0x3] =	sbarrier.arrive $0xFFFF  }
0xa9: {  	_ =	shalt  }

</sc_bundles>
